<compile_context>
chip_gen: v7x
topology: tpu7x:2x2x1
jax: 0.10.2.dev20260603
libtpu: 0.0.44.dev20260713+nightly
codegen_flags: <defaults>
</compile_context>

<pallas_src>
import functools

import jax
import jax.numpy as jnp
from jax import lax
from jax.experimental import pallas as pl
from jax.experimental.pallas import tpu as pltpu
from jax.experimental.pallas import tpu_sc as plsc

_ROWS, _COLS = 16384, 4096
_BLOCK_ROWS = 512
_STRIDE = 64



def _mask_copy_kernel(x_ref, o_ref):
    lane = jax.lax.broadcasted_iota(jnp.int32, (_BLOCK_ROWS, _COLS), 1)
    keep = (lane % _STRIDE) != 0
    o_ref[...] = jnp.where(keep, x_ref[...], 0.0)


def _tc_kernel(x):
    grid = (_ROWS // _BLOCK_ROWS,)
    return pl.pallas_call(
        _mask_copy_kernel,
        grid=grid,
        in_specs=[pl.BlockSpec((_BLOCK_ROWS, _COLS), lambda i: (i, 0))],
        out_specs=pl.BlockSpec((_BLOCK_ROWS, _COLS), lambda i: (i, 0)),
        out_shape=jax.ShapeDtypeStruct((_ROWS, _COLS), x.dtype),
        compiler_params=pltpu.CompilerParams(
            dimension_semantics=("parallel",),
        ),
    )(x)



_NW = 32
_NWORDS = _ROWS * _COLS
_WORDS_PER_W = _NWORDS // _NW
_CHUNK = 32768
_NCHUNK = _WORDS_PER_W // _CHUNK


@functools.partial(
    pl.kernel,
    out_type=jax.ShapeDtypeStruct((_NWORDS,), jnp.float32),
    mesh=plsc.VectorSubcoreMesh(core_axis_name="c", subcore_axis_name="s"),
    scratch_types=[pltpu.VMEM((_CHUNK,), jnp.float32)],
    compiler_params=pltpu.CompilerParams(needs_layout_passes=False),
)
def _sc_zero_mask(x_hbm, out_hbm, buf):
    wid = lax.axis_index("s") * 2 + lax.axis_index("c")
    idx16 = lax.iota(jnp.int32, 16) * _STRIDE
    zeros = jnp.zeros((16,), jnp.float32)

    def body(g, carry):
        base = wid * _WORDS_PER_W + g * _CHUNK
        pltpu.sync_copy(x_hbm.at[pl.ds(base, _CHUNK)], buf)
        for k in range(_CHUNK // (16 * _STRIDE)):
            plsc.store_scatter(buf, [idx16 + k * (16 * _STRIDE)], zeros)
        pltpu.sync_copy(buf, out_hbm.at[pl.ds(base, _CHUNK)])
        return carry

    lax.fori_loop(0, _NCHUNK, body, 0)


def _sc_kernel(x):
    return _sc_zero_mask(x.reshape(-1)).reshape(_ROWS, _COLS)



_SC_ROWS = 3072
_TC_ROWS = _ROWS - _SC_ROWS
_SC_WORDS = _SC_ROWS * _COLS
_SC_WORDS_PER_W = _SC_WORDS // _NW
_SC_NCHUNK = _SC_WORDS_PER_W // _CHUNK


def _tc_part(x):
    grid = (_TC_ROWS // _BLOCK_ROWS,)
    return pl.pallas_call(
        _mask_copy_kernel,
        grid=grid,
        in_specs=[pl.BlockSpec((_BLOCK_ROWS, _COLS), lambda i: (i, 0))],
        out_specs=pl.BlockSpec((_BLOCK_ROWS, _COLS), lambda i: (i, 0)),
        out_shape=jax.ShapeDtypeStruct((_TC_ROWS, _COLS), x.dtype),
        compiler_params=pltpu.CompilerParams(
            dimension_semantics=("parallel",),
        ),
    )(x)


@functools.partial(
    pl.kernel,
    out_type=jax.ShapeDtypeStruct((_SC_WORDS,), jnp.float32),
    mesh=plsc.VectorSubcoreMesh(core_axis_name="c", subcore_axis_name="s"),
    scratch_types=[pltpu.VMEM((_CHUNK,), jnp.float32)],
    compiler_params=pltpu.CompilerParams(needs_layout_passes=False),
)
def _sc_zero_mask_part(x_hbm, out_hbm, buf):
    wid = lax.axis_index("s") * 2 + lax.axis_index("c")
    idx16 = lax.iota(jnp.int32, 16) * _STRIDE
    zeros = jnp.zeros((16,), jnp.float32)

    def body(g, carry):
        base = wid * _SC_WORDS_PER_W + g * _CHUNK
        pltpu.sync_copy(x_hbm.at[pl.ds(_TC_ROWS * _COLS + base, _CHUNK)], buf)
        for k in range(_CHUNK // (16 * _STRIDE)):
            plsc.store_scatter(buf, [idx16 + k * (16 * _STRIDE)], zeros)
        pltpu.sync_copy(buf, out_hbm.at[pl.ds(base, _CHUNK)])
        return carry

    lax.fori_loop(0, _SC_NCHUNK, body, 0)


def _hybrid_kernel(x):
    top = _tc_part(x)
    bot = _sc_zero_mask_part(x.reshape(-1)).reshape(_SC_ROWS, _COLS)
    return jnp.concatenate([top, bot], axis=0)


def kernel(x):
    return _hybrid_kernel(x)

# --- scband reference (transcript-rebuilt; emitter-appended) ---
"""Pipeline reference for scband-zero-mask-79869211836794 (READ-ONLY COPY).

The authoritative reference and input builder live on the scoring server;
editing this copy changes nothing except your own understanding.
"""

import jax, jax.numpy as jnp
import numpy as np

MASK = np.array([i * 64 for i in range(64)], dtype=np.int32)


def setup_inputs(seed: int = 0) -> dict:
    key = jax.random.key(seed)
    x = jax.random.normal(key, (16384, 4096), dtype=jnp.float32)
    return {"x": x}


def reference(x):
    # Faithful translation of: x[:, self.mask] = 0; return x
    # scatter-overwrite of selected columns
    mask = jnp.asarray(MASK)
    return x.at[:, mask].set(0.0)

if __name__ == "__main__":
    import jax
    _d = setup_inputs()
    print(jax.jit(kernel)(*tuple(_d.values())))

</pallas_src>

<mosaic_0001>
#map = affine_map<(d0, d1) -> (0)>
module attributes {stable_mosaic.version = 14 : i64} {
  func.func @_sc_zero_mask_part(%arg0: i32, %arg1: i32, %arg2: memref<67108864xf32, #tpu.memory_space<hbm>>, %arg3: memref<12582912xf32, #tpu.memory_space<hbm>>, %arg4: memref<32768xf32, #tpu.memory_space<vmem>>) attributes {dimension_semantics = [#tpu.dimension_semantics<core_parallel>, #tpu.dimension_semantics<subcore_parallel>], iteration_bounds = array<i64: 2, 16>, scalar_prefetch = 0 : i64, scratch_operands = 1 : i64, tpu.core_type = #tpu.core_type<sc_vector_subcore>, window_params = [{transform_indices = #map}, {transform_indices = #map}]} {
    %mul3A = arith.constant 2 : i32
    %mul3A_0 = arith.muli %arg1, %mul3A : i32
    %add3A = arith.addi %mul3A_0, %arg0 : i32
    %iota3A = tpu.iota {dimensions = array<i32: 0>} : vector<16xi32>
    %mul3A_1 = arith.constant 64 : i32
    %mul3A_2 = vector.broadcast %mul3A_1 : i32 to vector<16xi32>
    %mul3A_3 = arith.muli %iota3A, %mul3A_2 : vector<16xi32>
    %broadcast_in_dim3A = arith.constant 0.000000e+00 : f32
    %broadcast_in_dim3A_4 = vector.broadcast %broadcast_in_dim3A : f32 to vector<16xf32>
    %scan3A = arith.constant 0 : i32
    %scan3A_5 = arith.constant 0 : i32
    %scan3A_6 = arith.constant 12 : i32
    %scan3A_7 = arith.addi %scan3A_5, %scan3A_6 : i32
    %scan3A_8 = arith.constant 1 : i32
    scf.for %scan3A_10 = %scan3A_5 to %scan3A_7 step %scan3A_8  : i32 {
      %mul3A_11 = arith.constant 393216 : i32
      %mul3A_12 = arith.muli %add3A, %mul3A_11 : i32
      %mul3A_13 = arith.constant 32768 : i32
      %mul3A_14 = arith.muli %scan3A_10, %mul3A_13 : i32
      %add3A_15 = arith.addi %mul3A_12, %mul3A_14 : i32
      %add3A_16 = arith.constant 54525952 : i32
      %add3A_17 = arith.addi %add3A_16, %add3A_15 : i32
      "tpu.region"() ({
        %run_scoped3A = tpu.sem_alloc : memref<!tpu.dma_semaphore, #tpu.memory_space<semaphore_mem>>
        %dma_start3A = tpu.memref_slice %arg2[%add3A_17] : memref<67108864xf32, #tpu.memory_space<hbm>> -> memref<32768xf32, #tpu.memory_space<hbm>>
        %dma_start3A_114 = tpu.memref_slice %arg2[%add3A_17] : memref<67108864xf32, #tpu.memory_space<hbm>> -> memref<32768xf32, #tpu.memory_space<hbm>>
        tpu.enqueue_dma source(%dma_start3A_114 : memref<32768xf32, #tpu.memory_space<hbm>>) target(%arg4 : memref<32768xf32, #tpu.memory_space<vmem>>) target_semaphore(%run_scoped3A : memref<!tpu.dma_semaphore, #tpu.memory_space<semaphore_mem>>)
        %dma_wait3A = tpu.memref_slice %arg2[%add3A_17] : memref<67108864xf32, #tpu.memory_space<hbm>> -> memref<32768xf32, #tpu.memory_space<hbm>>
        %dma_wait3A_115 = tpu.memref_slice %arg2[%add3A_17] : memref<67108864xf32, #tpu.memory_space<hbm>> -> memref<32768xf32, #tpu.memory_space<hbm>>
        tpu.wait_dma2 semaphore(%run_scoped3A : memref<!tpu.dma_semaphore, #tpu.memory_space<semaphore_mem>>) src(%dma_wait3A_115 : memref<32768xf32, #tpu.memory_space<hbm>>) dst(%arg4 : memref<32768xf32, #tpu.memory_space<vmem>>)
        tpu.yield
      }) : () -> ()
      %add3A_18 = arith.constant 0 : i32
      %add3A_19 = vector.broadcast %add3A_18 : i32 to vector<16xi32>
      %add3A_20 = arith.addi %mul3A_3, %add3A_19 : vector<16xi32>
      tpu.vector_store_idx %arg4[%add3A_20], %broadcast_in_dim3A_4 : memref<32768xf32, #tpu.memory_space<vmem>>[vector<16xi32>], vector<16xf32>,
      %add3A_21 = arith.constant 1024 : i32
      %add3A_22 = vector.broadcast %add3A_21 : i32 to vector<16xi32>
      %add3A_23 = arith.addi %mul3A_3, %add3A_22 : vector<16xi32>
      tpu.vector_store_idx %arg4[%add3A_23], %broadcast_in_dim3A_4 : memref<32768xf32, #tpu.memory_space<vmem>>[vector<16xi32>], vector<16xf32>,
      %add3A_24 = arith.constant 2048 : i32
      %add3A_25 = vector.broadcast %add3A_24 : i32 to vector<16xi32>
      %add3A_26 = arith.addi %mul3A_3, %add3A_25 : vector<16xi32>
      tpu.vector_store_idx %arg4[%add3A_26], %broadcast_in_dim3A_4 : memref<32768xf32, #tpu.memory_space<vmem>>[vector<16xi32>], vector<16xf32>,
      %add3A_27 = arith.constant 3072 : i32
      %add3A_28 = vector.broadcast %add3A_27 : i32 to vector<16xi32>
      %add3A_29 = arith.addi %mul3A_3, %add3A_28 : vector<16xi32>
      tpu.vector_store_idx %arg4[%add3A_29], %broadcast_in_dim3A_4 : memref<32768xf32, #tpu.memory_space<vmem>>[vector<16xi32>], vector<16xf32>,
      %add3A_30 = arith.constant 4096 : i32
      %add3A_31 = vector.broadcast %add3A_30 : i32 to vector<16xi32>
      %add3A_32 = arith.addi %mul3A_3, %add3A_31 : vector<16xi32>
      tpu.vector_store_idx %arg4[%add3A_32], %broadcast_in_dim3A_4 : memref<32768xf32, #tpu.memory_space<vmem>>[vector<16xi32>], vector<16xf32>,
      %add3A_33 = arith.constant 5120 : i32
      %add3A_34 = vector.broadcast %add3A_33 : i32 to vector<16xi32>
      %add3A_35 = arith.addi %mul3A_3, %add3A_34 : vector<16xi32>
      tpu.vector_store_idx %arg4[%add3A_35], %broadcast_in_dim3A_4 : memref<32768xf32, #tpu.memory_space<vmem>>[vector<16xi32>], vector<16xf32>,
      %add3A_36 = arith.constant 6144 : i32
      %add3A_37 = vector.broadcast %add3A_36 : i32 to vector<16xi32>
      %add3A_38 = arith.addi %mul3A_3, %add3A_37 : vector<16xi32>
      tpu.vector_store_idx %arg4[%add3A_38], %broadcast_in_dim3A_4 : memref<32768xf32, #tpu.memory_space<vmem>>[vector<16xi32>], vector<16xf32>,
      %add3A_39 = arith.constant 7168 : i32
      %add3A_40 = vector.broadcast %add3A_39 : i32 to vector<16xi32>
      %add3A_41 = arith.addi %mul3A_3, %add3A_40 : vector<16xi32>
      tpu.vector_store_idx %arg4[%add3A_41], %broadcast_in_dim3A_4 : memref<32768xf32, #tpu.memory_space<vmem>>[vector<16xi32>], vector<16xf32>,
      %add3A_42 = arith.constant 8192 : i32
      %add3A_43 = vector.broadcast %add3A_42 : i32 to vector<16xi32>
      %add3A_44 = arith.addi %mul3A_3, %add3A_43 : vector<16xi32>
      tpu.vector_store_idx %arg4[%add3A_44], %broadcast_in_dim3A_4 : memref<32768xf32, #tpu.memory_space<vmem>>[vector<16xi32>], vector<16xf32>,
      %add3A_45 = arith.constant 9216 : i32
      %add3A_46 = vector.broadcast %add3A_45 : i32 to vector<16xi32>
      %add3A_47 = arith.addi %mul3A_3, %add3A_46 : vector<16xi32>
      tpu.vector_store_idx %arg4[%add3A_47], %broadcast_in_dim3A_4 : memref<32768xf32, #tpu.memory_space<vmem>>[vector<16xi32>], vector<16xf32>,
      %add3A_48 = arith.constant 10240 : i32
      %add3A_49 = vector.broadcast %add3A_48 : i32 to vector<16xi32>
      %add3A_50 = arith.addi %mul3A_3, %add3A_49 : vector<16xi32>
      tpu.vector_store_idx %arg4[%add3A_50], %broadcast_in_dim3A_4 : memref<32768xf32, #tpu.memory_space<vmem>>[vector<16xi32>], vector<16xf32>,
      %add3A_51 = arith.constant 11264 : i32
      %add3A_52 = vector.broadcast %add3A_51 : i32 to vector<16xi32>
      %add3A_53 = arith.addi %mul3A_3, %add3A_52 : vector<16xi32>
      tpu.vector_store_idx %arg4[%add3A_53], %broadcast_in_dim3A_4 : memref<32768xf32, #tpu.memory_space<vmem>>[vector<16xi32>], vector<16xf32>,
      %add3A_54 = arith.constant 12288 : i32
      %add3A_55 = vector.broadcast %add3A_54 : i32 to vector<16xi32>
      %add3A_56 = arith.addi %mul3A_3, %add3A_55 : vector<16xi32>
      tpu.vector_store_idx %arg4[%add3A_56], %broadcast_in_dim3A_4 : memref<32768xf32, #tpu.memory_space<vmem>>[vector<16xi32>], vector<16xf32>,
      %add3A_57 = arith.constant 13312 : i32
      %add3A_58 = vector.broadcast %add3A_57 : i32 to vector<16xi32>
      %add3A_59 = arith.addi %mul3A_3, %add3A_58 : vector<16xi32>
      tpu.vector_store_idx %arg4[%add3A_59], %broadcast_in_dim3A_4 : memref<32768xf32, #tpu.memory_space<vmem>>[vector<16xi32>], vector<16xf32>,
      %add3A_60 = arith.constant 14336 : i32
      %add3A_61 = vector.broadcast %add3A_60 : i32 to vector<16xi32>
      %add3A_62 = arith.addi %mul3A_3, %add3A_61 : vector<16xi32>
      tpu.vector_store_idx %arg4[%add3A_62], %broadcast_in_dim3A_4 : memref<32768xf32, #tpu.memory_space<vmem>>[vector<16xi32>], vector<16xf32>,
      %add3A_63 = arith.constant 15360 : i32
      %add3A_64 = vector.broadcast %add3A_63 : i32 to vector<16xi32>
      %add3A_65 = arith.addi %mul3A_3, %add3A_64 : vector<16xi32>
      tpu.vector_store_idx %arg4[%add3A_65], %broadcast_in_dim3A_4 : memref<32768xf32, #tpu.memory_space<vmem>>[vector<16xi32>], vector<16xf32>,
      %add3A_66 = arith.constant 16384 : i32
      %add3A_67 = vector.broadcast %add3A_66 : i32 to vector<16xi32>
      %add3A_68 = arith.addi %mul3A_3, %add3A_67 : vector<16xi32>
      tpu.vector_store_idx %arg4[%add3A_68], %broadcast_in_dim3A_4 : memref<32768xf32, #tpu.memory_space<vmem>>[vector<16xi32>], vector<16xf32>,
      %add3A_69 = arith.constant 17408 : i32
      %add3A_70 = vector.broadcast %add3A_69 : i32 to vector<16xi32>
      %add3A_71 = arith.addi %mul3A_3, %add3A_70 : vector<16xi32>
      tpu.vector_store_idx %arg4[%add3A_71], %broadcast_in_dim3A_4 : memref<32768xf32, #tpu.memory_space<vmem>>[vector<16xi32>], vector<16xf32>,
      %add3A_72 = arith.constant 18432 : i32
      %add3A_73 = vector.broadcast %add3A_72 : i32 to vector<16xi32>
      %add3A_74 = arith.addi %mul3A_3, %add3A_73 : vector<16xi32>
      tpu.vector_store_idx %arg4[%add3A_74], %broadcast_in_dim3A_4 : memref<32768xf32, #tpu.memory_space<vmem>>[vector<16xi32>], vector<16xf32>,
      %add3A_75 = arith.constant 19456 : i32
      %add3A_76 = vector.broadcast %add3A_75 : i32 to vector<16xi32>
      %add3A_77 = arith.addi %mul3A_3, %add3A_76 : vector<16xi32>
      tpu.vector_store_idx %arg4[%add3A_77], %broadcast_in_dim3A_4 : memref<32768xf32, #tpu.memory_space<vmem>>[vector<16xi32>], vector<16xf32>,
      %add3A_78 = arith.constant 20480 : i32
      %add3A_79 = vector.broadcast %add3A_78 : i32 to vector<16xi32>
      %add3A_80 = arith.addi %mul3A_3, %add3A_79 : vector<16xi32>
      tpu.vector_store_idx %arg4[%add3A_80], %broadcast_in_dim3A_4 : memref<32768xf32, #tpu.memory_space<vmem>>[vector<16xi32>], vector<16xf32>,
      %add3A_81 = arith.constant 21504 : i32
      %add3A_82 = vector.broadcast %add3A_81 : i32 to vector<16xi32>
      %add3A_83 = arith.addi %mul3A_3, %add3A_82 : vector<16xi32>
      tpu.vector_store_idx %arg4[%add3A_83], %broadcast_in_dim3A_4 : memref<32768xf32, #tpu.memory_space<vmem>>[vector<16xi32>], vector<16xf32>,
      %add3A_84 = arith.constant 22528 : i32
      %add3A_85 = vector.broadcast %add3A_84 : i32 to vector<16xi32>
      %add3A_86 = arith.addi %mul3A_3, %add3A_85 : vector<16xi32>
      tpu.vector_store_idx %arg4[%add3A_86], %broadcast_in_dim3A_4 : memref<32768xf32, #tpu.memory_space<vmem>>[vector<16xi32>], vector<16xf32>,
      %add3A_87 = arith.constant 23552 : i32
      %add3A_88 = vector.broadcast %add3A_87 : i32 to vector<16xi32>
      %add3A_89 = arith.addi %mul3A_3, %add3A_88 : vector<16xi32>
      tpu.vector_store_idx %arg4[%add3A_89], %broadcast_in_dim3A_4 : memref<32768xf32, #tpu.memory_space<vmem>>[vector<16xi32>], vector<16xf32>,
      %add3A_90 = arith.constant 24576 : i32
      %add3A_91 = vector.broadcast %add3A_90 : i32 to vector<16xi32>
      %add3A_92 = arith.addi %mul3A_3, %add3A_91 : vector<16xi32>
      tpu.vector_store_idx %arg4[%add3A_92], %broadcast_in_dim3A_4 : memref<32768xf32, #tpu.memory_space<vmem>>[vector<16xi32>], vector<16xf32>,
      %add3A_93 = arith.constant 25600 : i32
      %add3A_94 = vector.broadcast %add3A_93 : i32 to vector<16xi32>
      %add3A_95 = arith.addi %mul3A_3, %add3A_94 : vector<16xi32>
      tpu.vector_store_idx %arg4[%add3A_95], %broadcast_in_dim3A_4 : memref<32768xf32, #tpu.memory_space<vmem>>[vector<16xi32>], vector<16xf32>,
      %add3A_96 = arith.constant 26624 : i32
      %add3A_97 = vector.broadcast %add3A_96 : i32 to vector<16xi32>
      %add3A_98 = arith.addi %mul3A_3, %add3A_97 : vector<16xi32>
      tpu.vector_store_idx %arg4[%add3A_98], %broadcast_in_dim3A_4 : memref<32768xf32, #tpu.memory_space<vmem>>[vector<16xi32>], vector<16xf32>,
      %add3A_99 = arith.constant 27648 : i32
      %add3A_100 = vector.broadcast %add3A_99 : i32 to vector<16xi32>
      %add3A_101 = arith.addi %mul3A_3, %add3A_100 : vector<16xi32>
      tpu.vector_store_idx %arg4[%add3A_101], %broadcast_in_dim3A_4 : memref<32768xf32, #tpu.memory_space<vmem>>[vector<16xi32>], vector<16xf32>,
      %add3A_102 = arith.constant 28672 : i32
      %add3A_103 = vector.broadcast %add3A_102 : i32 to vector<16xi32>
      %add3A_104 = arith.addi %mul3A_3, %add3A_103 : vector<16xi32>
      tpu.vector_store_idx %arg4[%add3A_104], %broadcast_in_dim3A_4 : memref<32768xf32, #tpu.memory_space<vmem>>[vector<16xi32>], vector<16xf32>,
      %add3A_105 = arith.constant 29696 : i32
      %add3A_106 = vector.broadcast %add3A_105 : i32 to vector<16xi32>
      %add3A_107 = arith.addi %mul3A_3, %add3A_106 : vector<16xi32>
      tpu.vector_store_idx %arg4[%add3A_107], %broadcast_in_dim3A_4 : memref<32768xf32, #tpu.memory_space<vmem>>[vector<16xi32>], vector<16xf32>,
      %add3A_108 = arith.constant 30720 : i32
      %add3A_109 = vector.broadcast %add3A_108 : i32 to vector<16xi32>
      %add3A_110 = arith.addi %mul3A_3, %add3A_109 : vector<16xi32>
      tpu.vector_store_idx %arg4[%add3A_110], %broadcast_in_dim3A_4 : memref<32768xf32, #tpu.memory_space<vmem>>[vector<16xi32>], vector<16xf32>,
      %add3A_111 = arith.constant 31744 : i32
      %add3A_112 = vector.broadcast %add3A_111 : i32 to vector<16xi32>
      %add3A_113 = arith.addi %mul3A_3, %add3A_112 : vector<16xi32>
      tpu.vector_store_idx %arg4[%add3A_113], %broadcast_in_dim3A_4 : memref<32768xf32, #tpu.memory_space<vmem>>[vector<16xi32>], vector<16xf32>,
      "tpu.region"() ({
        %run_scoped3A = tpu.sem_alloc : memref<!tpu.dma_semaphore, #tpu.memory_space<semaphore_mem>>
        %dma_start3A = tpu.memref_slice %arg3[%add3A_15] : memref<12582912xf32, #tpu.memory_space<hbm>> -> memref<32768xf32, #tpu.memory_space<hbm>>
        %dma_start3A_114 = tpu.memref_slice %arg3[%add3A_15] : memref<12582912xf32, #tpu.memory_space<hbm>> -> memref<32768xf32, #tpu.memory_space<hbm>>
        tpu.enqueue_dma source(%arg4 : memref<32768xf32, #tpu.memory_space<vmem>>) target(%dma_start3A_114 : memref<32768xf32, #tpu.memory_space<hbm>>) target_semaphore(%run_scoped3A : memref<!tpu.dma_semaphore, #tpu.memory_space<semaphore_mem>>)
        %dma_wait3A = tpu.memref_slice %arg3[%add3A_15] : memref<12582912xf32, #tpu.memory_space<hbm>> -> memref<32768xf32, #tpu.memory_space<hbm>>
        %dma_wait3A_115 = tpu.memref_slice %arg3[%add3A_15] : memref<12582912xf32, #tpu.memory_space<hbm>> -> memref<32768xf32, #tpu.memory_space<hbm>>
        tpu.wait_dma2 semaphore(%run_scoped3A : memref<!tpu.dma_semaphore, #tpu.memory_space<semaphore_mem>>) src(%arg4 : memref<32768xf32, #tpu.memory_space<vmem>>) dst(%dma_wait3A_115 : memref<32768xf32, #tpu.memory_space<hbm>>)
        tpu.yield
      }) : () -> ()
    }
    %scan3A_9 = arith.constant 12 : i32
    return
  }
}

module attributes {stable_mosaic.version = 14 : i64} {
  func.func @_mask_copy_kernel(%arg0: i32, %arg1: memref<512x4096xf32, #tpu.memory_space<vmem>>, %arg2: memref<512x4096xf32, #tpu.memory_space<vmem>>) attributes {dimension_semantics = [#tpu.dimension_semantics<parallel>], iteration_bounds = array<i64: 26>, scalar_prefetch = 0 : i64, scratch_operands = 0 : i64, tpu.core_type = #tpu.core_type<tc>, window_params = [{transform_indices = @transform_0, window_bounds = array<i64: 512, 4096>}, {transform_indices = @transform_1, window_bounds = array<i64: 512, 4096>}]} {
    %iota3A = tpu.iota {dimensions = array<i32: 1>} : vector<512x4096xi32>
    %jit3A = arith.constant 64 : i32
    %eq3A = arith.constant 0 : i32
    %eq3A_0 = arith.cmpi eq, %jit3A, %eq3A : i32
    %jit3A_1 = arith.constant 1 : i32
    %select_n3A = arith.select %eq3A_0, %jit3A_1, %jit3A : i32
    %rem3A = vector.broadcast %select_n3A : i32 to vector<512x4096xi32>
    %rem3A_2 = arith.remsi %iota3A, %rem3A : vector<512x4096xi32>
    %ne3A = arith.constant 0 : i32
    %ne3A_3 = vector.broadcast %ne3A : i32 to vector<512x4096xi32>
    %ne3A_4 = arith.cmpi ne, %rem3A_2, %ne3A_3 : vector<512x4096xi32>
    %lt3A = arith.constant 0 : i32
    %lt3A_5 = vector.broadcast %lt3A : i32 to vector<512x4096xi32>
    %lt3A_6 = arith.cmpi slt, %rem3A_2, %lt3A_5 : vector<512x4096xi32>
    %lt3A_7 = arith.constant 0 : i32
    %lt3A_8 = arith.cmpi slt, %select_n3A, %lt3A_7 : i32
    %ne3A_9 = vector.broadcast %lt3A_8 : i1 to vector<512x4096xi1>
    %ne3A_10 = vector.broadcast %ne3A_9 : vector<512x4096xi1> to vector<512x4096xi1>
    %ne3A_11 = arith.xori %lt3A_6, %ne3A_10 : vector<512x4096xi1>
    %and3A = arith.andi %ne3A_11, %ne3A_4 : vector<512x4096xi1>
    %add3A = vector.broadcast %select_n3A : i32 to vector<512x4096xi32>
    %add3A_12 = arith.addi %rem3A_2, %add3A : vector<512x4096xi32>
    %select_n3A_13 = arith.select %and3A, %add3A_12, %rem3A_2 : vector<512x4096xi1>, vector<512x4096xi32>
    %ne3A_14 = arith.constant 0 : i32
    %ne3A_15 = vector.broadcast %ne3A_14 : i32 to vector<512x4096xi32>
    %ne3A_16 = arith.cmpi ne, %select_n3A_13, %ne3A_15 : vector<512x4096xi32>
    %get3A = arith.constant 0 : index
    %get3A_17 = arith.constant 0 : index
    %get3A_18 = vector.load %arg1[%get3A, %get3A_17] : memref<512x4096xf32, #tpu.memory_space<vmem>>, vector<512x4096xf32>
    %jit3A_19 = arith.constant 0.000000e+00 : f32
    %broadcast_in_dim3A = vector.broadcast %jit3A_19 : f32 to vector<512x4096xf32>
    %select_n3A_20 = arith.select %ne3A_16, %get3A_18, %broadcast_in_dim3A : vector<512x4096xi1>, vector<512x4096xf32>
    %swap3A = arith.constant 0 : index
    %swap3A_21 = arith.constant 0 : index
    %swap3A_22 = vector.load %arg2[%swap3A, %swap3A_21] : memref<512x4096xf32, #tpu.memory_space<vmem>>, vector<512x4096xf32>
    tpu.vector_store %arg2[%swap3A, %swap3A_21], %select_n3A_20 {strides = array<i32>} : memref<512x4096xf32, #tpu.memory_space<vmem>>, vector<512x4096xf32>,
    return
  }
  func.func @transform_0(%arg0: i32) -> (i32, i32) {
    %c0_i32 = arith.constant 0 : i32
    %c0_i32_0 = arith.constant 0 : i32
    return %arg0, %c0_i32 : i32, i32
  }
  func.func @transform_1(%arg0: i32) -> (i32, i32) {
    %c0_i32 = arith.constant 0 : i32
    %c0_i32_0 = arith.constant 0 : i32
    return %arg0, %c0_i32 : i32, i32
  }
}

</mosaic_0001>

<sc_bundles>
// kernel: kernel.4.cloned.1.call-start
scs
__scs_entry_jumppad:
0x0: {  	(pc) =	sbr.rel $0x88, $3  }
0x1: {  	(tag) =	ssettag $0x0;
	lr =	simm.s32 $0x1  }
0x2: {  	[smem:$0x3FA0] =	sst lr;
	_ =	strace $0xD0000000  }
0x3: {  	_ = 	snop  }
0x4: {  	_ = 	snop  }
0x5: {  	_ = 	snop  }
0x6: {  	_ = 	snop  }
0x7: {  	_ = 	snop  }
__scs_overlays_trampoline_lowered:
0x8: {  	[smem:$0x3FAF] =	sst s0  }
0x9: {  	[smem:$0x3FB0] =	sst s1  }
0xa: {  	[smem:$0x3FB1] =	sst s2  }
0xb: {  	[smem:$0x3FB2] =	sst s3  }
0xc: {  	[smem:$0x3FB3] =	sst s4  }
0xd: {  	[smem:$0x3FB4] =	sst s5  }
0xe: {  	[smem:$0x3FB5] =	sst s6  }
0xf: {  	[smem:$0x3FB6] =	sst s7  }
0x10: {  	[smem:$0x3FB7] =	sst s8  }
0x11: {  	[smem:$0x3FB8] =	sst s9;
	s0 =	simm.s32 @!p0 $0x0  }
0x12: {  	s1 =	sld [smem:$0x3F9E];
	s0 =	simm.s32 @p0 $0x1  }
0x13: {  	[smem:$0x3FB9] =	sst s0;
	s0 =	simm.s32 @!p1 $0x0  }
0x14: {  	s2 =	sld [smem:$0x3F9D];
	s0 =	simm.s32 @p1 $0x1  }
0x15: {  	[smem:$0x3FBA] =	sst s0;
	s0 =	simm.s32 @!p2 $0x0  }
0x16: {  	s3 =	sld [smem:$0x3FDB];
	s0 =	simm.s32 @p2 $0x1  }
0x17: {  	s4 =	simm.s32 $0x1BF5;
	[smem:$0x3FBC] =	sst s0  }
0x18: {  	s0 =	sld [smem:$0x3F9F];
	_ =	swait.ge [sflag:s4], $0x0  }
0x19: {  	s7 =	sld [smem:$0x3FA0]  }
0x1a: {  	s8 =	sadd.s32 $0xFFFFE003, lr  }
0x1b: {  	s9 =	sadd.s32 $0xFFFFFEF7, lr;
	s5 =	simm.s32 $0xFFFFFFFF;
	p2 =	slt.u32 s8, $0xFFFFF086  }
0x1c: {  	p1 =	slt.u32 s9, $0xF7A;
	s5 =	simm.s32 @!p2 $0x0  }
0x1d: {  	s5 =	simm.s32 @p1 $0x1;
	p0 =	seq.s32 s7, s2  }
0x1e: {  	s7 =	smul.u32 @!p0 $0xF7A, s2;
	p2 =	seq.s32 @!p0 s5, $0x0  }
0x1f: {  	s9 =	smul.u32 $0xF7A, s1;
	s8 =	simm.s32 @!p0 $0x1BF5;
	p2 =	por !p2, p0  }
0x20: {  	[sflag:s8] =	ssyncset.s32 @!p0 $0xFFFFF086;
	s6 =	sadd.s32 @!p0 s3, s7;
	s7 =	simm.s32 @!p0 $0x108  }
0x21: {  	s3 =	sadd.s32 s3, s9;
	s6 =	sadd.s32 @!p0 $0x88, s6;
	s7 =	simm.s32 @p2 $0x1082  }
0x22: {  	[simem:s7], [sflag:s8] =	dma.local @!p0 [hbm:s6], $0xF7A  }
0x23: {  	s9 =	sor.u32 $0xD0000000, s2;
	s6 =	simm.s32 $0x108;
	_ =	swait.ge @!p0 [sflag:s8], $0x0  }
0x24: {  	s3 =	sadd.s32 $0x88, s3;
	s6 =	simm.s32 @!p1 $0x1082;
	[sflag:s4] =	ssyncset.s32 $0xFFFFF086  }
0x25: {  	[simem:s6], [sflag:s4] =	dma.local [hbm:s3], $0xF7A  }
0x26: {  	[smem:$0x3FA0] =	sst s1;
	(tag) =	ssettag s2;
	_ =	strace s9  }
0x27: {  	s1 =	sld [smem:$0x3FB0]  }
0x28: {  	s2 =	sld [smem:$0x3FB1]  }
0x29: {  	s4 =	sld [smem:$0x3FB3]  }
0x2a: {  	p0 =	seq.s32 s5, $0x0;
	s5 =	sld [smem:$0x3FB4]  }
0x2b: {  	s6 =	sld [smem:$0x3FB5]  }
0x2c: {  	s7 =	sld [smem:$0x3FB6]  }
0x2d: {  	s3 =	simm.s32 $0x108;
	s8 =	sld [smem:$0x3FB7]  }
0x2e: {  	s3 =	simm.s32 @!p0 $0x1082;
	s9 =	sld [smem:$0x3FB8]  }
0x2f: {  	lr =	sadd.s32 s0, s3;
	s0 =	sld [smem:$0x3FAF]  }
0x30: {  	s3 =	sld [smem:$0x3FB2]  }
0x31: {  	[smem:$0x3FBB] =	sst s10  }
0x32: {  	s10 =	sld [smem:$0x3FB9];
	_ =	sdelay $0x3  }
0x33: {  	p0 =	seq.s32 s10, $0x1;
	s10 =	sld [smem:$0x3FBB];
	_ =	sdelay $0x3  }
0x34: {  	[smem:$0x3FBB] =	sst s10  }
0x35: {  	s10 =	sld [smem:$0x3FBA];
	_ =	sdelay $0x3  }
0x36: {  	p1 =	seq.s32 s10, $0x1;
	s10 =	sld [smem:$0x3FBB];
	_ =	sdelay $0x3  }
0x37: {  	[smem:$0x3FBB] =	sst s10  }
0x38: {  	s10 =	sld [smem:$0x3FBC]  }
0x39: {  	_ = 	snop;
	(pc) =	sbr.ind lr, $3  }
0x3a: {  	_ = 	snop  }
0x3b: {  	_ = 	snop  }
0x3c: {  	p2 =	seq.s32 s10, $0x1;
	s10 =	sld [smem:$0x3FBB]  }
0x3d: {  	_ =	shalt  }
0x3e: {  	_ =	shalt  }
0x3f: {  	_ =	shalt  }
0x40: {  	_ =	shalt  }
0x41: {  	_ =	shalt  }
0x42: {  	_ =	shalt  }
0x43: {  	_ =	shalt  }
0x44: {  	_ =	shalt  }
0x45: {  	_ =	shalt  }
0x46: {  	_ =	shalt  }
0x47: {  	_ =	shalt  }
0x48: {  	_ =	shalt  }
0x49: {  	_ =	shalt  }
0x4a: {  	_ =	shalt  }
0x4b: {  	_ =	shalt  }
0x4c: {  	_ =	shalt  }
0x4d: {  	_ =	shalt  }
0x4e: {  	_ =	shalt  }
0x4f: {  	_ =	shalt  }
0x50: {  	_ =	shalt  }
0x51: {  	_ =	shalt  }
0x52: {  	_ =	shalt  }
0x53: {  	_ =	shalt  }
0x54: {  	_ =	shalt  }
0x55: {  	_ =	shalt  }
0x56: {  	_ =	shalt  }
0x57: {  	_ =	shalt  }
0x58: {  	_ =	shalt  }
0x59: {  	_ =	shalt  }
0x5a: {  	_ =	shalt  }
0x5b: {  	_ =	shalt  }
0x5c: {  	_ =	shalt  }
0x5d: {  	_ =	shalt  }
0x5e: {  	_ =	shalt  }
0x5f: {  	_ =	shalt  }
0x60: {  	_ =	shalt  }
0x61: {  	_ =	shalt  }
0x62: {  	_ =	shalt  }
0x63: {  	_ =	shalt  }
0x64: {  	_ =	shalt  }
0x65: {  	_ =	shalt  }
0x66: {  	_ =	shalt  }
0x67: {  	_ =	shalt  }
0x68: {  	_ =	shalt  }
0x69: {  	_ =	shalt  }
0x6a: {  	_ =	shalt  }
0x6b: {  	_ =	shalt  }
0x6c: {  	_ =	shalt  }
0x6d: {  	_ =	shalt  }
0x6e: {  	_ =	shalt  }
0x6f: {  	_ =	shalt  }
0x70: {  	_ =	shalt  }
0x71: {  	_ =	shalt  }
0x72: {  	_ =	shalt  }
0x73: {  	_ =	shalt  }
0x74: {  	_ =	shalt  }
0x75: {  	_ =	shalt  }
0x76: {  	_ =	shalt  }
0x77: {  	_ =	shalt  }
0x78: {  	_ =	shalt  }
0x79: {  	_ =	shalt  }
0x7a: {  	_ =	shalt  }
0x7b: {  	_ =	shalt  }
0x7c: {  	_ =	shalt  }
0x7d: {  	_ =	shalt  }
0x7e: {  	_ =	shalt  }
0x7f: {  	_ =	shalt  }
0x80: {  	_ =	shalt  }
0x81: {  	_ =	shalt  }
0x82: {  	_ =	shalt  }
0x83: {  	_ =	shalt  }
0x84: {  	_ =	shalt  }
0x85: {  	_ =	shalt  }
0x86: {  	_ =	shalt  }
0x87: {  	_ =	shalt  }
.Lfunc_end0:
.L_simem_size_0:
called_computation.1_lowered:
.L_overlay_start_0:
0x88: {  	s2 =	sld [smem:$0x3FD9]  }
0x89: {  	s3 =	sld [smem:$0x3FFE];
	_ =	sdelay $0x1  }
0x8a: {  	s1 =	srdreg.scid  }
0x8b: {  	s0 =	sand.u32 $0x1, s1  }
0x8c: {  	s17 =	sshll.u32 s0, $0xA;
	s2 =	sadd.s32 s3, s2  }
0x8d: {  	s2 =	sadd.s32 s2, s17  }
0x8e: {  	[smem:$0x3FC7] =	sst s2  }
0x8f: {  	_ = 	snop  }
0x90: {  	s2 =	sld [smem:$0x3FD0];
	(tm) =	ssettm $0x1  }
0x91: {  	s18 =	sld [smem:$0x3FFB];
	_ =	sdelay $0x3  }
0x92: {  	_ =	strace s18  }
0x93: {  	s3 =	sld [smem:$0x3FFC];
	_ =	sdelay $0x3  }
0x94: {  	_ =	strace s3  }
0x95: {  	s3 =	sld [smem:$0x3FFD];
	_ =	sdelay $0x3  }
0x96: {  	_ =	strace s3  }
0x97: {  	_ =	strace $0x8FFFFFFF  }
0x98: {  	s19 =	sld [smem:$0x3FDB];
	_ =	sdelay $0x1  }
0x99: {  	s4 =	simm.s32 $_scs_section_size  }
0x9a: {  	s5 =	simm.s32 $_size__tile_overlayer_lowered;
	s6 =	simm.s32 $_tile_overlayer_lowered  }
0x9b: {  	s22 =	simm.s32 $0x1BFF;
	s21 =	sshll.u32 s6, $0x1;
	s3 =	sadd.s32 s4, s19  }
0x9c: {  	s7 =	simm.s32 $0x0;
	s20 =	sshll.u32 s5, $0x1;
	s5 =	sadd.s32 s21, s3  }
0x9d: {  	[timem:s7], [sflag:s22] =	dma.local [hbm:s5], s20  }
0x9e: {  	_ =	swait.ge [sflag:s22], s20  }
0x9f: {  	s4 =	ssub.s32 $0x0, s20;
	[sflag:s22] =	ssyncset.done $0x0  }
0xa0: {  	[sflag:s22] =	ssyncadd.s32 s4;
	_ =	sdelay $0x1  }
0xa1: {  	s23 =	simm.s32 $0x1B8B  }
0xa2: {  	_ =	swait.ge [sflag:s23], $0x1  }
0xa3: {  	[sflag:s23] =	ssyncset.done $0x0  }
0xa4: {  	s25 =	simm.s32 $0x1B8E;
	s24 =	sld [smem:$0x3FFE];
	[sflag:s23] =	ssyncadd.s32 $0xFFFFFFFF  }
0xa5: {  	s26 =	simm.s32 $execute0_lowered;
	[smem:$0x3FD2] =	sst s25  }
0xa6: {  	s5 =	sshll.u32 s26, $0x1;
	_ =	strace $0x80000049;
	[dreg:$0x1] =	wrdreg $0xFFFFFFFF  }
0xa7: {  	s28 =	simm.s32 $_size_execute0_lowered;
	s3 =	sadd.s32 s3, s5;
	[dreg:$0x0] =	wrdreg $0x0  }
0xa8: {  	s5 =	sshll.u32 s28, $0x1;
	[dreg:$0x2] =	wrdreg s3  }
0xa9: {  	[dreg:$0x3] =	wrdreg s5  }
0xaa: {  	[dreg:$0x4] =	wrdreg $0xC0  }
0xab: {  	_ =	task [dreg:s7], $0x5FFFF  }
0xac: {  	[dreg:$0x1] =	wrdreg $0xFFFFFFFF  }
0xad: {  	[dreg:$0x0] =	wrdreg $0x60  }
0xae: {  	[dreg:$0x2] =	wrdreg s2  }
0xaf: {  	[dreg:$0x3] =	wrdreg s24  }
0xb0: {  	[dreg:$0x4] =	wrdreg $0x9  }
0xb1: {  	_ =	task.clear_ibuf [dreg:s7], $0x5FFFF;
	_ =	strace $0x90000049  }
0xb2: {  	s29 =	simm.s32 $0x9;
	_ =	strace $0x8000004B  }
0xb3: {  	_ =	swait.ge [sflag:s29], $0x1  }
0xb4: {  	[sflag:s29] =	ssyncadd.s32 $0xFFFFFFFF  }
0xb5: {  	_ =	strace $0x9000004B  }
0xb6: {  	_ =	sfence  }
0xb7: {  	s30 =	sld [smem:$0x0];
	_ =	sdelay $0x2  }
0xb8: {  	s31 =	sshll.u32 s1, $0xD;
	s1 =	sshrl.u32 s1, $0x2  }
0xb9: {  	s3 =	sand.u32 $0x4000, s31;
	s1 =	sadd.s32 s1, s30  }
0xba: {  	s0 =	sor.u32 s3, s0;
	s1 =	sshll.u32 s1, $0x11  }
0xbb: {  	s0 =	sor.u32 s1, s0  }
0xbc: {  	s0 =	sadd.s32 $0x8F2B, s0  }
0xbd: {  	[sflag:s0] =	ssyncadd.remote.s32 $0x1  }
0xbe: {  	_ =	sfence.sel $0xFFFF  }
0xbf: {  	[dreg:$0x0] =	wrdreg $0xFFFFFFFF;
	(pc) =	sbr.abs _section_cstart, $3  }
0xc0: {  	[dreg:$0x1] =	wrdreg $0xFFFFFFFF  }
0xc1: {  	_ =	task.clear_ibuf [dreg:s7], $0x2FFFF;
	_ =	strace $0x9FFFFFFF  }
0xc2: {  	(tm) =	ssettm $0x7FFFFFFF  }
0xc3: {  	_ =	shalt  }
tec
execute0_lowered:
.L_overlay_start_1:
0x0: {  	(tag) =	ssettag $0x1  }
0x1: {  	v0 =	vlaneseq.u32  }
0x2: {  	v0 =	vmul.u32 $0x40, v0;
	_ =	sdelay $0x1  }
0x3: {  	v1 =	vimm.f32 $0.0e+00;
	v2 =	vor.u32 $0x400, v0  }
0x4: {  	v3 =	vor.u32 $0x800, v0;
	v4 =	vor.u32 $0xC00, v0;
	v5 =	vor.u32 $0x1000, v0  }
0x5: {  	s1 =	srdreg.scid;
	s0 =	stileid.u32;
	v6 =	vor.u32 $0x1400, v0;
	v7 =	vor.u32 $0x1800, v0;
	v8 =	vor.u32 $0x1C00, v0  }
0x6: {  	s5 =	rddreg [dreg:$0x0];
	s3 =	sand.u32 $0x1, s1;
	s2 =	smul.u32 $0xC0000, s0;
	v9 =	vor.u32 $0x2000, v0;
	v10 =	vor.u32 $0x2400, v0;
	v11 =	vor.u32 $0x2800, v0  }
0x7: {  	s6 =	rddreg [dreg:$0x1];
	s4 =	smul.u32 $0x60000, s3;
	v12 =	vor.u32 $0x2C00, v0;
	v13 =	vor.u32 $0x3000, v0;
	v14 =	vor.u32 $0x3400, v0  }
0x8: {  	s1 =	rddreg [dreg:$0x2];
	s3 =	ssub.s32 $0x2, s3;
	v15 =	vor.u32 $0x3800, v0;
	v16 =	vor.u32 $0x3C00, v0;
	v17 =	vor.u32 $0x4000, v0  }
0x9: {  	v18 =	vor.u32 $0x4400, v0;
	v19 =	vor.u32 $0x4800, v0;
	v20 =	vor.u32 $0x4C00, v0;
	s29 =	sshrl.u32 s3, $0x1;
	s4 =	sadd.s32 s4, s2;
	s2 =	simm.s32 $0x0  }
0xa: {  	v21 =	vor.u32 $0x5000, v0;
	v22 =	vor.u32 $0x5400, v0;
	v23 =	vor.u32 $0x5800, v0;
	s3 =	ssub.s32 s3, s29;
	s7 =	sshrl.u32 s4, $0x3;
	[smem:$0x7FF] =	sst s2  }
0xb: {  	v24 =	vor.u32 $0x5C00, v0;
	v25 =	vor.u32 $0x6000, v0;
	v26 =	vor.u32 $0x6400, v0;
	s30 =	sadd.s32 $0x3400000, s4;
	s3 =	smax.u32 s3, $0x1;
	s6 =	sadd.s32 s7, s6  }
0xc: {  	v27 =	vor.u32 $0x6800, v0;
	v28 =	vor.u32 $0x6C00, v0;
	v29 =	vor.u32 $0x7000, v0;
	_ =	strace $0x8000004A;
	s31 =	sshrl.u32 s30, $0x3;
	s7 =	simm.s32 $0x0  }
0xd: {  	v30 =	vor.u32 $0x7400, v0;
	v31 =	vor.u32 $0x7800, v0;
	v32 =	vor.u32 $0x7C00, v0;
	s4 =	sadd.s32 $0x800, s6;
	s5 =	sadd.s32 s31, s5;
	s6 =	simm.s32 $0x1  }
.LBB2_1:
0xe: {  	s8 =	sadd.s32 $0x0, s5  }
0xf: {  	[tilespmem:s2], [sflag:$0x1] =	stream.linear.gather [hbm4b:s8+s2], $0x8000, $0x38;
	[tilespmem:$0x8000] =	vst v63  }
0x10: {  	_ =	swait.ge [sflag:s6], $0x8000  }
0x11: {  	[sflag:s6] =	ssyncset.done $0x0  }
0x12: {  	[sflag:s6] =	ssyncadd.s32 $0xFFFF8000  }
0x13: {  	[tilespmem:v0+s2+$0x0] =	vst.idx.msk $0xffff, v1  }
0x14: {  	[tilespmem:v2+s2+$0x0] =	vst.idx.msk $0xffff, v1  }
0x15: {  	[tilespmem:v3+s2+$0x0] =	vst.idx.msk $0xffff, v1  }
0x16: {  	[tilespmem:v4+s2+$0x0] =	vst.idx.msk $0xffff, v1  }
0x17: {  	[tilespmem:v5+s2+$0x0] =	vst.idx.msk $0xffff, v1  }
0x18: {  	[tilespmem:v6+s2+$0x0] =	vst.idx.msk $0xffff, v1  }
0x19: {  	[tilespmem:v7+s2+$0x0] =	vst.idx.msk $0xffff, v1  }
0x1a: {  	[tilespmem:v8+s2+$0x0] =	vst.idx.msk $0xffff, v1  }
0x1b: {  	[tilespmem:v9+s2+$0x0] =	vst.idx.msk $0xffff, v1  }
0x1c: {  	[tilespmem:v10+s2+$0x0] =	vst.idx.msk $0xffff, v1  }
0x1d: {  	[tilespmem:v11+s2+$0x0] =	vst.idx.msk $0xffff, v1  }
0x1e: {  	[tilespmem:v12+s2+$0x0] =	vst.idx.msk $0xffff, v1  }
0x1f: {  	[tilespmem:v13+s2+$0x0] =	vst.idx.msk $0xffff, v1  }
0x20: {  	[tilespmem:v14+s2+$0x0] =	vst.idx.msk $0xffff, v1  }
0x21: {  	[tilespmem:v15+s2+$0x0] =	vst.idx.msk $0xffff, v1  }
0x22: {  	[tilespmem:v16+s2+$0x0] =	vst.idx.msk $0xffff, v1  }
0x23: {  	[tilespmem:v17+s2+$0x0] =	vst.idx.msk $0xffff, v1  }
0x24: {  	[tilespmem:v18+s2+$0x0] =	vst.idx.msk $0xffff, v1  }
0x25: {  	[tilespmem:v19+s2+$0x0] =	vst.idx.msk $0xffff, v1  }
0x26: {  	[tilespmem:v20+s2+$0x0] =	vst.idx.msk $0xffff, v1  }
0x27: {  	[tilespmem:v21+s2+$0x0] =	vst.idx.msk $0xffff, v1  }
0x28: {  	[tilespmem:v22+s2+$0x0] =	vst.idx.msk $0xffff, v1  }
0x29: {  	[tilespmem:v23+s2+$0x0] =	vst.idx.msk $0xffff, v1  }
0x2a: {  	[tilespmem:v24+s2+$0x0] =	vst.idx.msk $0xffff, v1  }
0x2b: {  	[tilespmem:v25+s2+$0x0] =	vst.idx.msk $0xffff, v1  }
0x2c: {  	[tilespmem:v26+s2+$0x0] =	vst.idx.msk $0xffff, v1  }
0x2d: {  	[tilespmem:v27+s2+$0x0] =	vst.idx.msk $0xffff, v1  }
0x2e: {  	[tilespmem:v28+s2+$0x0] =	vst.idx.msk $0xffff, v1  }
0x2f: {  	[tilespmem:v29+s2+$0x0] =	vst.idx.msk $0xffff, v1  }
0x30: {  	[tilespmem:v30+s2+$0x0] =	vst.idx.msk $0xffff, v1  }
0x31: {  	[tilespmem:v31+s2+$0x0] =	vst.idx.msk $0xffff, v1  }
0x32: {  	s31 =	sadd.s32 $0x0, s4;
	[tilespmem:v32+s2+$0x0] =	vst.idx.msk $0xffff, v1  }
0x33: {  	[hbm4b:s31+s2] =	stream.linear.scatter [tilespmem:s2], [sflag:$0x1], $0x8000, $0x38;
	[tilespmem:$0x8000] =	vst v63  }
0x34: {  	_ =	swait.ge [sflag:s6], $0x8000  }
0x35: {  	s11 =	simm.s32 $0x2000;
	s8 =	simm.s32 $0x1000;
	[sflag:s6] =	ssyncset.done $0x0  }
.LBB2_2:
0x36: {  	s12 =	sadd.s32 s8, s5  }
0x37: {  	[sflag:s6] =	ssyncadd.s32 $0xFFFF8000;
	s10 =	smov.u32 s11;
	s9 =	sadd.s32 $0x1000, s11  }
0x38: {  	[tilespmem:s2], [sflag:$0x1] =	stream.linear.gather [hbm4b:s12+s2], $0x8000, $0x38;
	[tilespmem:$0x8000] =	vst v63  }
0x39: {  	p0 =	sne.s32 s11, $0xB000;
	_ =	swait.ge [sflag:s6], $0x8000  }
0x3a: {  	[sflag:s6] =	ssyncset.done $0x0  }
0x3b: {  	[sflag:s6] =	ssyncadd.s32 $0xFFFF8000  }
0x3c: {  	[tilespmem:v0+s2+$0x0] =	vst.idx.msk $0xffff, v1  }
0x3d: {  	[tilespmem:v2+s2+$0x0] =	vst.idx.msk $0xffff, v1  }
0x3e: {  	[tilespmem:v3+s2+$0x0] =	vst.idx.msk $0xffff, v1  }
0x3f: {  	[tilespmem:v4+s2+$0x0] =	vst.idx.msk $0xffff, v1  }
0x40: {  	[tilespmem:v5+s2+$0x0] =	vst.idx.msk $0xffff, v1  }
0x41: {  	[tilespmem:v6+s2+$0x0] =	vst.idx.msk $0xffff, v1  }
0x42: {  	[tilespmem:v7+s2+$0x0] =	vst.idx.msk $0xffff, v1  }
0x43: {  	[tilespmem:v8+s2+$0x0] =	vst.idx.msk $0xffff, v1  }
0x44: {  	[tilespmem:v9+s2+$0x0] =	vst.idx.msk $0xffff, v1  }
0x45: {  	[tilespmem:v10+s2+$0x0] =	vst.idx.msk $0xffff, v1  }
0x46: {  	[tilespmem:v11+s2+$0x0] =	vst.idx.msk $0xffff, v1  }
0x47: {  	[tilespmem:v12+s2+$0x0] =	vst.idx.msk $0xffff, v1  }
0x48: {  	[tilespmem:v13+s2+$0x0] =	vst.idx.msk $0xffff, v1  }
0x49: {  	[tilespmem:v14+s2+$0x0] =	vst.idx.msk $0xffff, v1  }
0x4a: {  	[tilespmem:v15+s2+$0x0] =	vst.idx.msk $0xffff, v1  }
0x4b: {  	[tilespmem:v16+s2+$0x0] =	vst.idx.msk $0xffff, v1  }
0x4c: {  	[tilespmem:v17+s2+$0x0] =	vst.idx.msk $0xffff, v1  }
0x4d: {  	[tilespmem:v18+s2+$0x0] =	vst.idx.msk $0xffff, v1  }
0x4e: {  	[tilespmem:v19+s2+$0x0] =	vst.idx.msk $0xffff, v1  }
0x4f: {  	[tilespmem:v20+s2+$0x0] =	vst.idx.msk $0xffff, v1  }
0x50: {  	[tilespmem:v21+s2+$0x0] =	vst.idx.msk $0xffff, v1  }
0x51: {  	[tilespmem:v22+s2+$0x0] =	vst.idx.msk $0xffff, v1  }
0x52: {  	[tilespmem:v23+s2+$0x0] =	vst.idx.msk $0xffff, v1  }
0x53: {  	[tilespmem:v24+s2+$0x0] =	vst.idx.msk $0xffff, v1  }
0x54: {  	[tilespmem:v25+s2+$0x0] =	vst.idx.msk $0xffff, v1  }
0x55: {  	[tilespmem:v26+s2+$0x0] =	vst.idx.msk $0xffff, v1  }
0x56: {  	[tilespmem:v27+s2+$0x0] =	vst.idx.msk $0xffff, v1  }
0x57: {  	[tilespmem:v28+s2+$0x0] =	vst.idx.msk $0xffff, v1  }
0x58: {  	[tilespmem:v29+s2+$0x0] =	vst.idx.msk $0xffff, v1  }
0x59: {  	[tilespmem:v30+s2+$0x0] =	vst.idx.msk $0xffff, v1  }
.Ltmp0:
0x5a: {  	[tilespmem:v31+s2+$0x0] =	vst.idx.msk $0xffff, v1;
	(pc) =	sbr.rel @p0 .LBB2_2-.Ltmp0, $4  }
0x5b: {  	s11 =	sadd.s32 s8, s4;
	s8 =	smov.u32 s10;
	[tilespmem:v32+s2+$0x0] =	vst.idx.msk $0xffff, v1  }
0x5c: {  	[hbm4b:s11+s2] =	stream.linear.scatter [tilespmem:s2], [sflag:$0x1], $0x8000, $0x38;
	[tilespmem:$0x8000] =	vst v63  }
0x5d: {  	_ =	swait.ge [sflag:s6], $0x8000  }
0x5e: {  	s11 =	smov.u32 s9;
	[sflag:s6] =	ssyncset.done $0x0  }
0x5f: {  	s9 =	sadd.s32 s8, s5;
	[sflag:s6] =	ssyncadd.s32 $0xFFFF8000  }
0x60: {  	[tilespmem:s2], [sflag:$0x1] =	stream.linear.gather [hbm4b:s9+s2], $0x8000, $0x38;
	[tilespmem:$0x8000] =	vst v63  }
0x61: {  	_ =	swait.ge [sflag:s6], $0x8000  }
0x62: {  	[sflag:s6] =	ssyncset.done $0x0  }
0x63: {  	[sflag:s6] =	ssyncadd.s32 $0xFFFF8000  }
0x64: {  	[tilespmem:v0+s2+$0x0] =	vst.idx.msk $0xffff, v1  }
0x65: {  	[tilespmem:v2+s2+$0x0] =	vst.idx.msk $0xffff, v1  }
0x66: {  	[tilespmem:v3+s2+$0x0] =	vst.idx.msk $0xffff, v1  }
0x67: {  	[tilespmem:v4+s2+$0x0] =	vst.idx.msk $0xffff, v1  }
0x68: {  	[tilespmem:v5+s2+$0x0] =	vst.idx.msk $0xffff, v1  }
0x69: {  	[tilespmem:v6+s2+$0x0] =	vst.idx.msk $0xffff, v1  }
0x6a: {  	[tilespmem:v7+s2+$0x0] =	vst.idx.msk $0xffff, v1  }
0x6b: {  	[tilespmem:v8+s2+$0x0] =	vst.idx.msk $0xffff, v1  }
0x6c: {  	[tilespmem:v9+s2+$0x0] =	vst.idx.msk $0xffff, v1  }
0x6d: {  	[tilespmem:v10+s2+$0x0] =	vst.idx.msk $0xffff, v1  }
0x6e: {  	[tilespmem:v11+s2+$0x0] =	vst.idx.msk $0xffff, v1  }
0x6f: {  	[tilespmem:v12+s2+$0x0] =	vst.idx.msk $0xffff, v1  }
0x70: {  	[tilespmem:v13+s2+$0x0] =	vst.idx.msk $0xffff, v1  }
0x71: {  	[tilespmem:v14+s2+$0x0] =	vst.idx.msk $0xffff, v1  }
0x72: {  	[tilespmem:v15+s2+$0x0] =	vst.idx.msk $0xffff, v1  }
0x73: {  	[tilespmem:v16+s2+$0x0] =	vst.idx.msk $0xffff, v1  }
0x74: {  	[tilespmem:v17+s2+$0x0] =	vst.idx.msk $0xffff, v1  }
0x75: {  	[tilespmem:v18+s2+$0x0] =	vst.idx.msk $0xffff, v1  }
0x76: {  	[tilespmem:v19+s2+$0x0] =	vst.idx.msk $0xffff, v1  }
0x77: {  	[tilespmem:v20+s2+$0x0] =	vst.idx.msk $0xffff, v1  }
0x78: {  	[tilespmem:v21+s2+$0x0] =	vst.idx.msk $0xffff, v1  }
0x79: {  	[tilespmem:v22+s2+$0x0] =	vst.idx.msk $0xffff, v1  }
0x7a: {  	[tilespmem:v23+s2+$0x0] =	vst.idx.msk $0xffff, v1  }
0x7b: {  	[tilespmem:v24+s2+$0x0] =	vst.idx.msk $0xffff, v1  }
0x7c: {  	[tilespmem:v25+s2+$0x0] =	vst.idx.msk $0xffff, v1  }
0x7d: {  	[tilespmem:v26+s2+$0x0] =	vst.idx.msk $0xffff, v1  }
0x7e: {  	[tilespmem:v27+s2+$0x0] =	vst.idx.msk $0xffff, v1  }
0x7f: {  	[tilespmem:v28+s2+$0x0] =	vst.idx.msk $0xffff, v1  }
0x80: {  	[tilespmem:v29+s2+$0x0] =	vst.idx.msk $0xffff, v1  }
0x81: {  	s7 =	sadd.s32 $0x1, s7;
	[tilespmem:v30+s2+$0x0] =	vst.idx.msk $0xffff, v1  }
0x82: {  	p0 =	sne.s32 s7, s3;
	[tilespmem:v31+s2+$0x0] =	vst.idx.msk $0xffff, v1  }
.Ltmp1:
0x83: {  	s31 =	sadd.s32 s8, s4;
	[tilespmem:v32+s2+$0x0] =	vst.idx.msk $0xffff, v1;
	(pc) =	sbr.rel @p0 .LBB2_1-.Ltmp1, $4  }
0x84: {  	[hbm4b:s31+s2] =	stream.linear.scatter [tilespmem:s2], [sflag:$0x1], $0x8000, $0x38;
	[tilespmem:$0x8000] =	vst v63  }
0x85: {  	_ =	swait.ge [sflag:s6], $0x8000  }
0x86: {  	[sflag:s6] =	ssyncset.done $0x0  }
0x87: {  	[sflag:s6] =	ssyncadd.s32 $0xFFFF8000  }
0x88: {  	_ =	sfence.sel $0x180000  }
0x89: {  	[bflag:$0x0] =	sbarrier.arrive $0xFFFF  }
0x8a: {  	p0 =	sne.s32 s0, $0x0;
	_ =	strace $0x9000004A  }
0x8b: {  	s0 =	sadd.s32 @!p0 $0x100000, s1;
	[bflag:$0x2] =	sbarrier.arrive $0xFFFF  }
0x8c: {  	[sflag:s0] =	ssyncadd.tile.s32 @!p0 $0x1;
	_ =	shalt  }
.Lfunc_end2:
_tile_overlayer_lowered:
.L_overlay_start_2:
0x8d: {  	(tag) =	ssettag $0x2  }
0x8e: {  	s0 =	rddreg [dreg:$0x0];
	s2 =	stileid.u32  }
0x8f: {  	s1 =	rddreg [dreg:$0x1];
	p0 =	sne.s32 s2, $0x0  }
0x90: {  	s3 =	rddreg [dreg:$0x2];
	[bflag:$0x3] =	sbarrier.arrive $0xFFFF;
	s2 =	simm.s32 @!p0 $0x1C01  }
0x91: {  	[timem:s3], [sflag:s2] =	dma.local @!p0 [hbm:s0], s1  }
0x92: {  	s0 =	simm.s32 @!p0 $0x1  }
0x93: {  	_ =	swait.ge @!p0 [sflag:s0], s1  }
0x94: {  	s1 =	ssub.s32 @!p0 $0x0, s1;
	[sflag:s0] =	ssyncset.done @!p0 $0x0  }
0x95: {  	[sflag:s0] =	ssyncadd.s32 @!p0 s1  }
0x96: {  	[bflag:$0x3] =	sbarrier.arrive $0xFFFF  }
0x97: {  	_ =	shalt  }

// kernel: sparse-core-data-format-call.cloned.1.call-start
scs
called_computation_lowered:
.L_overlay_start_0:
0x0: {  	s2 =	sld [smem:$0x3FD9]  }
0x1: {  	s3 =	sld [smem:$0x3FFE];
	_ =	sdelay $0x1  }
0x2: {  	s1 =	srdreg.scid  }
0x3: {  	s0 =	sand.u32 $0x1, s1  }
0x4: {  	s19 =	sshll.u32 s0, $0xA;
	s2 =	sadd.s32 s3, s2  }
0x5: {  	s2 =	sadd.s32 s2, s19  }
0x6: {  	[smem:$0x3FC7] =	sst s2  }
0x7: {  	_ = 	snop  }
0x8: {  	s2 =	sld [smem:$0x3FC9]  }
0x9: {  	s20 =	sld [smem:$0x3FD0];
	(tm) =	ssettm $0x1  }
0xa: {  	s4 =	sld [smem:$0x3FFB];
	_ =	sdelay $0x3  }
0xb: {  	_ =	strace s4  }
0xc: {  	s4 =	sld [smem:$0x3FFC];
	_ =	sdelay $0x3  }
0xd: {  	_ =	strace s4  }
0xe: {  	s4 =	sld [smem:$0x3FFD];
	_ =	sdelay $0x3  }
0xf: {  	_ =	strace s4  }
0x10: {  	_ =	strace $0x8FFFFFFF  }
0x11: {  	s21 =	sld [smem:$0x3FDB];
	_ =	sdelay $0x1  }
0x12: {  	s5 =	simm.s32 $_scs_section_size  }
0x13: {  	s6 =	simm.s32 $_size__tile_overlayer_lowered;
	s7 =	simm.s32 $_tile_overlayer_lowered  }
0x14: {  	s24 =	simm.s32 $0x1BFF;
	s23 =	sshll.u32 s7, $0x1;
	s4 =	sadd.s32 s5, s21  }
0x15: {  	s8 =	simm.s32 $0x0;
	s22 =	sshll.u32 s6, $0x1;
	s6 =	sadd.s32 s23, s4  }
0x16: {  	[timem:s8], [sflag:s24] =	dma.local [hbm:s6], s22  }
0x17: {  	_ =	swait.ge [sflag:s24], s22  }
0x18: {  	s5 =	ssub.s32 $0x0, s22;
	[sflag:s24] =	ssyncset.done $0x0  }
0x19: {  	[sflag:s24] =	ssyncadd.s32 s5;
	_ =	sdelay $0x1  }
0x1a: {  	s25 =	simm.s32 $0x1B8B  }
0x1b: {  	_ =	swait.ge [sflag:s25], $0x1  }
0x1c: {  	[sflag:s25] =	ssyncset.done $0x0  }
0x1d: {  	s26 =	simm.s32 $0x1B8E;
	[sflag:s25] =	ssyncadd.s32 $0xFFFFFFFF  }
0x1e: {  	s27 =	simm.s32 $execute0_lowered;
	[smem:$0x3FD2] =	sst s26  }
0x1f: {  	s5 =	sshll.u32 s27, $0x1;
	_ =	strace $0x80000046;
	[dreg:$0x1] =	wrdreg $0xFFFFFFFF  }
0x20: {  	s28 =	simm.s32 $_size_execute0_lowered;
	s4 =	sadd.s32 s4, s5;
	[dreg:$0x0] =	wrdreg $0x0  }
0x21: {  	s5 =	sshll.u32 s28, $0x1;
	[dreg:$0x2] =	wrdreg s4  }
0x22: {  	[dreg:$0x3] =	wrdreg s5  }
0x23: {  	[dreg:$0x4] =	wrdreg $0xC0  }
0x24: {  	_ =	task [dreg:s8], $0x5FFFF  }
0x25: {  	[dreg:$0x1] =	wrdreg $0xFFFFFFFF  }
0x26: {  	[dreg:$0x0] =	wrdreg $0x60  }
0x27: {  	[dreg:$0x2] =	wrdreg s2  }
0x28: {  	[dreg:$0x3] =	wrdreg s20  }
0x29: {  	[dreg:$0x4] =	wrdreg $0x9  }
0x2a: {  	_ =	task.clear_ibuf [dreg:s8], $0x5FFFF;
	_ =	strace $0x90000046  }
0x2b: {  	s29 =	simm.s32 $0x9;
	_ =	strace $0x80000048  }
0x2c: {  	_ =	swait.ge [sflag:s29], $0x1  }
0x2d: {  	[sflag:s29] =	ssyncadd.s32 $0xFFFFFFFF  }
0x2e: {  	_ =	strace $0x90000048  }
0x2f: {  	_ =	sfence  }
0x30: {  	s30 =	sld [smem:$0x0];
	_ =	sdelay $0x2  }
0x31: {  	s31 =	sshll.u32 s1, $0xD;
	s1 =	sshrl.u32 s1, $0x2  }
0x32: {  	s3 =	sand.u32 $0x4000, s31;
	s1 =	sadd.s32 s1, s30  }
0x33: {  	s0 =	sor.u32 s3, s0;
	s1 =	sshll.u32 s1, $0x11  }
0x34: {  	s0 =	sor.u32 s1, s0  }
0x35: {  	s0 =	sadd.s32 $0x8F2B, s0  }
0x36: {  	[sflag:s0] =	ssyncadd.remote.s32 $0x1  }
0x37: {  	_ =	sfence.sel $0xFFFF  }
0x38: {  	[dreg:$0x0] =	wrdreg $0xFFFFFFFF;
	(pc) =	sbr.abs _section_cstart, $3  }
0x39: {  	[dreg:$0x1] =	wrdreg $0xFFFFFFFF  }
0x3a: {  	_ =	task.clear_ibuf [dreg:s8], $0x2FFFF;
	_ =	strace $0x9FFFFFFF  }
0x3b: {  	(tm) =	ssettm $0x7FFFFFFF  }
tec
execute0_lowered:
.L_overlay_start_1:
0x0: {  	(tag) =	ssettag $0x1  }
0x1: {  	s2 =	rddreg [dreg:$0x0]  }
0x2: {  	s3 =	rddreg [dreg:$0x1]  }
0x3: {  	s0 =	rddreg [dreg:$0x2];
	_ =	strace $0x80000047  }
0x4: {  	s4 =	srdreg.scid;
	s1 =	stileid.u32;
	s6 =	simm.s32 $0x2  }
.Ltmp0:
0x5: {  	s11 =	simm.s32 $0x0;
	p0 =	por $0x0, $0x0;
	(pc) =	sbr.rel .LBB1_1-.Ltmp0, $4  }
0x6: {  	s7 =	simm.s32 $0x1000;
	s12 =	simm.s32 $0x0;
	s5 =	sshll.u32 s4, $0x4  }
0x7: {  	s9 =	simm.s32 $0x0;
	s4 =	simm.s32 $0x1;
	s5 =	sand.u32 $0x10, s5  }
0x8: {  	s8 =	simm.s32 $0x0;
	[sflag:s4] =	ssyncpa.u1 $0x0;
	s5 =	sor.u32 s1, s5  }
0x9: {  	[sflag:s6] =	ssyncpa.u1 $0x0;
	s6 =	simm.s32 $0x800;
	s10 =	smov.u32 s5  }
.LBB1_7:
0xa: {  	s13 =	sadd.s32 $0x10, s9  }
0xb: {  	s11 =	sadd.s32 $0x20, s10;
	s15 =	smov.u32 s10;
	p2 =	sgt.s32 s13, $0x1F  }
0xc: {  	p1 =	slt.u32 s8, $0x2;
	s15 =	smov.u32 @p2 s11  }
0xd: {  	s8 =	sadd.s32 $0x1, s8;
	s13 =	simm.s32 @p2 $0x0;
	p2 =	sgt.s32 s15, $0x7FF  }
0xe: {  	s15 =	smov.u32 @p2 s5;
	p2 =	sne.s32 s8, $0x82  }
.Ltmp1:
0xf: {  	_ = 	snop;
	(pc) =	sbr.rel @!p2 .LBB1_8-.Ltmp1, $4  }
0x10: {  	s14 =	simm.s32 @!p1 $0x2  }
0x11: {  	s12 =	smov.u32 s10;
	_ =	swait.ge @!p1 [sflag:s14], $0x4000  }
0x12: {  	p0 =	por !p0, !p0;
	s11 =	smov.u32 s9;
	[sflag:s14] =	ssyncset.done @!p1 $0x0  }
0x13: {  	s9 =	smov.u32 s13;
	[sflag:s14] =	ssyncadd.s32 @!p1 $0xFFFFC000;
	s10 =	smov.u32 s15  }
.LBB1_1:
0x14: {  	p1 =	sgt.u32 s8, $0x7F  }
0x15: {  	s13 =	sxor.u32 @!p1 $0xFFFFFFFF, s8;
	s14 =	sshll.u32 @!p1 s10, $0xC  }
0x16: {  	s15 =	sshll.u32 @!p1 s9, $0x7;
	s13 =	sshll.u32 @!p1 s13, $0xE;
	s14 =	sadd.s32 @!p1 s2, s14  }
0x17: {  	s13 =	sand.u32 @!p1 $0x4000, s13;
	s14 =	sadd.s32 @!p1 s15, s14;
	s15 =	simm.s32 @!p1 $0x0  }
0x18: {  	[tilespmem:s13], [sflag:$0x1] =	stream.linear.gather @!p1 [hbm4b:s14+s15], $0x4000, $0x38;
	[tilespmem:$0x10000] =	vst v63  }
0x19: {  	p1 =	seq.s32 s8, $0x0  }
0x1a: {  	p2 =	seq.s32 @!p1 s8, $0x81  }
0x1b: {  	p1 =	por p1, p2  }
.Ltmp2:
0x1c: {  	_ = 	snop;
	(pc) =	sbr.rel @p1 .LBB1_7-.Ltmp2, $1  }
0x1d: {  	_ =	sdelay $0x3  }
0x1e: {  	s13 =	simm.s32 $0x1;
	_ =	swait.ge [sflag:s4], $0x4000;
	s16 =	sshll.u32 s8, $0xE  }
0x1f: {  	s13 =	simm.s32 @!p0 $0x0;
	[sflag:s4] =	ssyncset.done $0x0;
	s31 =	sand.u32 $0x4000, s16  }
0x20: {  	s16 =	simm.s32 $0x0;
	s14 =	sshll.u32 s13, $0xE;
	[sflag:s4] =	ssyncadd.s32 $0xFFFFC000  }
0x21: {  	s13 =	sor.u32 $0x8040, s14;
	s15 =	sor.u32 $0x40, s14;
	s14 =	sor.u32 $0x8000, s31  }
.LBB1_3:
0x22: {  	v0 =	vmov s15;
	_ =	sdelay $0x3  }
0x23: {  	s18 =	simm.s32 $0x0  }
0x24: {  	v6 =	vld.idx.msk [tilespmem:v0+s18+$0x30 ss:$0x1], $0xffff  }
0x25: {  	v7 =	vld.idx.msk [tilespmem:v0+s18+$0xFFFFFFC0 ss:$0x1], $0xffff  }
0x26: {  	v5 =	vld.idx.msk [tilespmem:v0+s18+$0xFFFFFFD0 ss:$0x1], $0xffff  }
0x27: {  	v4 =	vld.idx.msk [tilespmem:v0+s18+$0xFFFFFFE0 ss:$0x1], $0xffff  }
0x28: {  	v3 =	vld.idx.msk [tilespmem:v0+s18+$0xFFFFFFF0 ss:$0x1], $0xffff  }
0x29: {  	v1 =	vld.idx.msk [tilespmem:v0+s18+$0x0 ss:$0x1], $0xffff  }
0x2a: {  	v2 =	vld.idx.msk [tilespmem:v0+s18+$0x10 ss:$0x1], $0xffff;
	[tilespmem:s13+$0x30] =	vst v6  }
0x2b: {  	s17 =	simm.s32 $0x80;
	s19 =	simm.s32 $0x400;
	[tilespmem:s13+$0xFFFFFFC0] =	vst v7;
	v6 =	vld.idx.msk [tilespmem:v0+s18+$0x20 ss:$0x1], $0xffff;
	s18 =	smov.u32 s13  }
.LBB1_4:
0x2c: {  	p1 =	sne.s32 s19, $0xE00;
	v7 =	vld.idx.msk [tilespmem:v0+s17+$0x30 ss:$0x1], $0xffff;
	[tilespmem:s18+$0xFFFFFFD0] =	vst v5  }
0x2d: {  	v8 =	vld.idx.msk [tilespmem:v0+s17+$0xFFFFFFC0 ss:$0x1], $0xffff;
	[tilespmem:s18+$0xFFFFFFE0] =	vst v4  }
0x2e: {  	v5 =	vld.idx.msk [tilespmem:v0+s17+$0xFFFFFFD0 ss:$0x1], $0xffff;
	[tilespmem:s18+$0xFFFFFFF0] =	vst v3  }
.Ltmp3:
0x2f: {  	v4 =	vld.idx.msk [tilespmem:v0+s17+$0xFFFFFFE0 ss:$0x1], $0xffff;
	[tilespmem:s18+$0x0] =	vst v1;
	(pc) =	sbr.rel @p1 .LBB1_4-.Ltmp3, $4  }
0x30: {  	v3 =	vld.idx.msk [tilespmem:v0+s17+$0xFFFFFFF0 ss:$0x1], $0xffff;
	[tilespmem:s18+$0x10] =	vst v2  }
0x31: {  	v1 =	vld.idx.msk [tilespmem:v0+s17+$0x0 ss:$0x1], $0xffff;
	[tilespmem:s18+$0x20] =	vst v6;
	s18 =	sadd.s32 $0x800, s18  }
0x32: {  	v2 =	vld.idx.msk [tilespmem:v0+s17+$0x10 ss:$0x1], $0xffff;
	[tilespmem:s18+$0x30] =	vst v7  }
0x33: {  	[tilespmem:s18+$0xFFFFFFC0] =	vst v8;
	v6 =	vld.idx.msk [tilespmem:v0+s17+$0x20 ss:$0x1], $0xffff;
	s17 =	sshra.s32 s19, $0x2;
	s19 =	sadd.s32 $0x200, s19  }
0x34: {  	_ =	sdelay $0x2  }
0x35: {  	[tilespmem:s18+$0xFFFFFFD0] =	vst v5  }
0x36: {  	v56 =	vld.idx.msk [tilespmem:v0+s17+$0x30 ss:$0x1], $0xffff;
	[tilespmem:s18+$0xFFFFFFE0] =	vst v4  }
0x37: {  	v57 =	vld.idx.msk [tilespmem:v0+s17+$0xFFFFFFC0 ss:$0x1], $0xffff;
	[tilespmem:s18+$0xFFFFFFF0] =	vst v3  }
0x38: {  	v58 =	vld.idx.msk [tilespmem:v0+s17+$0xFFFFFFD0 ss:$0x1], $0xffff;
	[tilespmem:s18+$0x0] =	vst v1  }
0x39: {  	v59 =	vld.idx.msk [tilespmem:v0+s17+$0xFFFFFFE0 ss:$0x1], $0xffff;
	[tilespmem:s18+$0x10] =	vst v2  }
0x3a: {  	v60 =	vld.idx.msk [tilespmem:v0+s17+$0xFFFFFFF0 ss:$0x1], $0xffff;
	s31 =	sadd.s32 $0x800, s18;
	[tilespmem:s18+$0x20] =	vst v6  }
0x3b: {  	v61 =	vld.idx.msk [tilespmem:v0+s17+$0x0 ss:$0x1], $0xffff;
	[tilespmem:s31+$0x30] =	vst v56  }
0x3c: {  	v62 =	vld.idx.msk [tilespmem:v0+s17+$0x10 ss:$0x1], $0xffff;
	s16 =	sadd.s32 $0x1, s16;
	[tilespmem:s31+$0xFFFFFFC0] =	vst v57  }
0x3d: {  	v63 =	vld.idx.msk [tilespmem:v0+s17+$0x20 ss:$0x1], $0xffff;
	p1 =	sne.s32 s16, $0x10;
	[tilespmem:s31+$0xFFFFFFD0] =	vst v58  }
.Ltmp4:
0x3e: {  	[tilespmem:s31+$0xFFFFFFE0] =	vst v59;
	(pc) =	sbr.rel @p1 .LBB1_3-.Ltmp4, $4  }
0x3f: {  	[tilespmem:s31+$0xFFFFFFF0] =	vst v60  }
0x40: {  	[tilespmem:s31+$0x0] =	vst v61  }
0x41: {  	[tilespmem:s31+$0x10] =	vst v62  }
0x42: {  	s13 =	sadd.s32 $0x80, s13;
	s15 =	sadd.s32 $0x400, s15;
	[tilespmem:s31+$0x20] =	vst v63  }
.Ltmp5:
0x43: {  	(pc) =	sbr.rel .LBB1_7-.Ltmp5, $4  }
0x44: {  	s12 =	sshll.u32 s12, $0xC;
	s11 =	sshll.u32 s11, $0x4  }
0x45: {  	s11 =	sand.u32 $0x1F0, s11;
	s12 =	sadd.s32 s3, s12  }
0x46: {  	s11 =	sadd.s32 s11, s12  }
0x47: {  	[hbm4b:s11+s6] =	stream.strided.scatter [tilespmem:s14], [sflag:$0x2], $0x4000, s7, s6, $0x38;
	[tilespmem:$0x10000] =	vst v63  }
.LBB1_8:
0x48: {  	_ =	sfence.sel $0x180000  }
0x49: {  	s2 =	simm.s32 $0x1;
	[bflag:$0x0] =	sbarrier.arrive $0xFFFF  }
0x4a: {  	s31 =	simm.s32 $0x2;
	[sflag:s2] =	ssyncpa.u1 $0x1  }
0x4b: {  	[sflag:s31] =	ssyncpa.u1 $0x1  }
0x4c: {  	p0 =	sne.s32 s1, $0x0;
	_ =	strace $0x90000047  }
0x4d: {  	s0 =	sadd.s32 @!p0 $0x100000, s0;
	[bflag:$0x2] =	sbarrier.arrive $0xFFFF  }
0x4e: {  	[sflag:s0] =	ssyncadd.tile.s32 @!p0 $0x1;
	_ =	shalt  }
.Lfunc_end1:
_tile_overlayer_lowered:
.L_overlay_start_2:
0x4f: {  	(tag) =	ssettag $0x2  }
0x50: {  	s0 =	rddreg [dreg:$0x0];
	s2 =	stileid.u32  }
0x51: {  	s1 =	rddreg [dreg:$0x1];
	p0 =	sne.s32 s2, $0x0  }
0x52: {  	s3 =	rddreg [dreg:$0x2];
	[bflag:$0x3] =	sbarrier.arrive $0xFFFF;
	s2 =	simm.s32 @!p0 $0x1C01  }
0x53: {  	[timem:s3], [sflag:s2] =	dma.local @!p0 [hbm:s0], s1  }
0x54: {  	s0 =	simm.s32 @!p0 $0x1  }
0x55: {  	_ =	swait.ge @!p0 [sflag:s0], s1  }
0x56: {  	s1 =	ssub.s32 @!p0 $0x0, s1;
	[sflag:s0] =	ssyncset.done @!p0 $0x0  }
0x57: {  	[sflag:s0] =	ssyncadd.s32 @!p0 s1  }
0x58: {  	[bflag:$0x3] =	sbarrier.arrive $0xFFFF  }
0x59: {  	_ =	shalt  }

</sc_bundles>
